<compile_context>
chip_gen: v7x
topology: tpu7x:2x2x1
jax: 0.10.2.dev20260603
libtpu: 0.0.44.dev20260713+nightly
codegen_flags: <defaults>
</compile_context>

<pallas_src>
import functools

import jax
import jax.numpy as jnp
from jax import lax
from jax.experimental import pallas as pl
from jax.experimental.pallas import tpu as pltpu
from jax.experimental.pallas import tpu_sc as plsc

N = 10000
E = 320000
D = 128

NC = 2
NS = 16
NW = NC * NS
EPW = E // NW
B = 125
NCHUNK = EPW // B
NP = 10240
RPT = NP // NS
ZB = 640

_MM_BLK = 1000


def _mm_body(x_ref, w_ref, b_ref, o_ref):
    o_ref[...] = (
        jnp.dot(x_ref[...], w_ref[...], preferred_element_type=jnp.float32)
        + b_ref[...]
    )


def _combine_body(p_ref, o_ref):
    o_ref[...] = p_ref[0] + p_ref[1]


_sc_mesh = plsc.VectorSubcoreMesh(core_axis_name="c", subcore_axis_name="s")


@functools.partial(
    pl.kernel,
    mesh=_sc_mesh,
    out_type=jax.ShapeDtypeStruct((NC, NP, D), jnp.float32),
    scratch_types=[
        pltpu.VMEM((2, NCHUNK, B), jnp.int32),
        pltpu.VMEM((B, D), jnp.float32),
        pltpu.VMEM_SHARED((NP, D), jnp.float32),
    ],
)
def _sc_scatter(h_hbm, edges_hbm, zeros_hbm, part_hbm,
                idx_v, rows_v, acc_sh):
    cid = lax.axis_index("c")
    sid = lax.axis_index("s")
    wid = cid * NS + sid

    for blk in range(RPT // ZB):
        pltpu.sync_copy(zeros_hbm,
                        acc_sh.at[pl.ds(sid * RPT + blk * ZB, ZB)])
    pltpu.sync_copy(edges_hbm.at[wid], idx_v)
    plsc.subcore_barrier()

    def body(ci, carry):
        pltpu.sync_copy(h_hbm.at[idx_v.at[0, ci]], rows_v)
        pltpu.sync_copy(rows_v, acc_sh.at[idx_v.at[1, ci]], add=True)
        return carry

    lax.fori_loop(0, NCHUNK, body, 0)

    plsc.subcore_barrier()
    pltpu.sync_copy(acc_sh.at[pl.ds(sid * RPT, RPT)],
                    part_hbm.at[cid, pl.ds(sid * RPT, RPT)])


def kernel(x, control_edge_index, W, b):
    edges3d = control_edge_index.reshape(2, NW, NCHUNK, B).transpose(
        (1, 0, 2, 3))

    h = pl.pallas_call(
        _mm_body,
        grid=(N // _MM_BLK,),
        in_specs=[
            pl.BlockSpec((_MM_BLK, D), lambda i: (i, 0)),
            pl.BlockSpec((D, D), lambda i: (0, 0)),
            pl.BlockSpec((1, D), lambda i: (0, 0)),
        ],
        out_specs=pl.BlockSpec((_MM_BLK, D), lambda i: (i, 0)),
        out_shape=jax.ShapeDtypeStruct((N, D), jnp.float32),
    )(x, W, b.reshape(1, D))

    zeros = jnp.zeros((ZB, D), jnp.float32)
    part = _sc_scatter(h, edges3d, zeros)

    cb = 1000
    out = pl.pallas_call(
        _combine_body,
        grid=(N // cb,),
        in_specs=[pl.BlockSpec((NC, cb, D), lambda i: (0, i, 0))],
        out_specs=pl.BlockSpec((cb, D), lambda i: (i, 0)),
        out_shape=jax.ShapeDtypeStruct((N, D), jnp.float32),
    )(part)

    return out

# --- scband reference (transcript-rebuilt; emitter-appended) ---
"""Pipeline reference for scband-convolutional-control-52338471469497 (READ-ONLY COPY).

The authoritative reference and input builder live on the scoring server;
editing this copy changes nothing except your own understanding.
"""

import jax, jax.numpy as jnp
import numpy as np

N = 10000
E = 320000
D = 128

def setup_inputs(seed: int = 0):
    key = jax.random.key(seed)
    k1, k2, k3, k4 = jax.random.split(key, 4)
    x = jax.random.normal(k1, (N, D), dtype=jnp.float32)
    control_edge_index = jax.random.randint(k2, (2, E), 0, N, dtype=jnp.int32)
    W = jax.random.normal(k3, (D, D), dtype=jnp.float32) * (1.0 / np.sqrt(D))
    b = jax.random.normal(k4, (D,), dtype=jnp.float32) * 0.01
    return {"x": x, "control_edge_index": control_edge_index, "W": W, "b": b}

def reference(x, control_edge_index, W, b):
    src = control_edge_index[0]
    dst = control_edge_index[1]
    n_nodes = x.shape[0]
    # normalize() branch: always taken in original (self.normalize is a bound method, truthy).
    # edge_weight is computed but NOT passed to spmm in the original forward (dead code, kept faithful).
    edge_weight = jnp.ones((control_edge_index.shape[1],), dtype=x.dtype)
    deg = jax.ops.segment_sum(edge_weight, dst, num_segments=n_nodes)
    inv_deg = jnp.where(deg > 0, 1.0 / deg, 0.0)
    _unused_edge_weight = inv_deg[dst] * edge_weight
    # linear layer
    h = x @ W + b
    # spmm(edge_index, h): unweighted sum aggregation out[dst] += h[src]
    out = jax.ops.segment_sum(h[src], dst, num_segments=n_nodes)
    return out

if __name__ == "__main__":
    import jax
    _d = setup_inputs()
    print(jax.jit(kernel)(*tuple(_d.values())))

</pallas_src>

<mosaic_0001>
#map = affine_map<(d0, d1) -> (0, 0)>
#map1 = affine_map<(d0, d1) -> (0, 0, 0, 0)>
#map2 = affine_map<(d0, d1) -> (0, 0, 0)>
module attributes {stable_mosaic.version = 14 : i64} {
  func.func @_sc_scatter(%arg0: i32, %arg1: i32, %arg2: memref<10000x128xf32, #tpu.memory_space<hbm>>, %arg3: memref<32x2x80x125xi32, #tpu.memory_space<hbm>>, %arg4: memref<640x128xf32, #tpu.memory_space<hbm>>, %arg5: memref<2x10240x128xf32, #tpu.memory_space<hbm>>, %arg6: memref<2x80x125xi32, #tpu.memory_space<vmem>>, %arg7: memref<125x128xf32, #tpu.memory_space<vmem>>, %arg8: memref<10240x128xf32, #tpu.memory_space<vmem_shared>>) attributes {dimension_semantics = [#tpu.dimension_semantics<core_parallel>, #tpu.dimension_semantics<subcore_parallel>], iteration_bounds = array<i64: 2, 16>, scalar_prefetch = 0 : i64, scratch_operands = 3 : i64, tpu.core_type = #tpu.core_type<sc_vector_subcore>, window_params = [{transform_indices = #map}, {transform_indices = #map1}, {transform_indices = #map}, {transform_indices = #map2}]} {
    %mul3A = arith.constant 16 : i32
    %mul3A_0 = arith.muli %arg0, %mul3A : i32
    %add3A = arith.addi %mul3A_0, %arg1 : i32
    %mul3A_1 = arith.constant 640 : i32
    %mul3A_2 = arith.muli %arg1, %mul3A_1 : i32
    %add3A_3 = arith.constant 0 : i32
    %add3A_4 = arith.addi %mul3A_2, %add3A_3 : i32
    "tpu.region"() ({
      %run_scoped3A = tpu.sem_alloc : memref<!tpu.dma_semaphore, #tpu.memory_space<semaphore_mem>>
      %dma_start3A = arith.constant 0 : i32
      %dma_start3A_15 = tpu.memref_slice %arg8[%add3A_4, %dma_start3A] : memref<10240x128xf32, #tpu.memory_space<vmem_shared>> -> memref<640x128xf32, #tpu.memory_space<vmem_shared>>
      tpu.enqueue_dma source(%arg4 : memref<640x128xf32, #tpu.memory_space<hbm>>) target(%dma_start3A_15 : memref<640x128xf32, #tpu.memory_space<vmem_shared>>) target_semaphore(%run_scoped3A : memref<!tpu.dma_semaphore, #tpu.memory_space<semaphore_mem>>)
      %dma_wait3A = arith.constant 0 : i32
      %dma_wait3A_16 = tpu.memref_slice %arg8[%add3A_4, %dma_wait3A] : memref<10240x128xf32, #tpu.memory_space<vmem_shared>> -> memref<640x128xf32, #tpu.memory_space<vmem_shared>>
      tpu.wait_dma2 semaphore(%run_scoped3A : memref<!tpu.dma_semaphore, #tpu.memory_space<semaphore_mem>>) src(%arg4 : memref<640x128xf32, #tpu.memory_space<hbm>>) dst(%dma_wait3A_16 : memref<640x128xf32, #tpu.memory_space<vmem_shared>>)
      tpu.yield
    }) : () -> ()
    "tpu.region"() ({
      %run_scoped3A = tpu.sem_alloc : memref<!tpu.dma_semaphore, #tpu.memory_space<semaphore_mem>>
      %dma_start3A = arith.constant 0 : i32
      %dma_start3A_15 = arith.constant 0 : i32
      %dma_start3A_16 = arith.constant 0 : i32
      %dma_start3A_17 = tpu.memref_slice %arg3[%add3A, %dma_start3A, %dma_start3A_15, %dma_start3A_16] : memref<32x2x80x125xi32, #tpu.memory_space<hbm>> -> memref<1x2x80x125xi32, #tpu.memory_space<hbm>>
      %dma_start3A_18 = tpu.memref_squeeze %dma_start3A_17 : memref<1x2x80x125xi32, #tpu.memory_space<hbm>> -> memref<2x80x125xi32, #tpu.memory_space<hbm>>
      %dma_start3A_19 = arith.constant 0 : i32
      %dma_start3A_20 = arith.constant 0 : i32
      %dma_start3A_21 = arith.constant 0 : i32
      %dma_start3A_22 = tpu.memref_slice %arg3[%add3A, %dma_start3A_19, %dma_start3A_20, %dma_start3A_21] : memref<32x2x80x125xi32, #tpu.memory_space<hbm>> -> memref<1x2x80x125xi32, #tpu.memory_space<hbm>>
      %dma_start3A_23 = tpu.memref_squeeze %dma_start3A_22 : memref<1x2x80x125xi32, #tpu.memory_space<hbm>> -> memref<2x80x125xi32, #tpu.memory_space<hbm>>
      tpu.enqueue_dma source(%dma_start3A_23 : memref<2x80x125xi32, #tpu.memory_space<hbm>>) target(%arg6 : memref<2x80x125xi32, #tpu.memory_space<vmem>>) target_semaphore(%run_scoped3A : memref<!tpu.dma_semaphore, #tpu.memory_space<semaphore_mem>>)
      %dma_wait3A = arith.constant 0 : i32
      %dma_wait3A_24 = arith.constant 0 : i32
      %dma_wait3A_25 = arith.constant 0 : i32
      %dma_wait3A_26 = tpu.memref_slice %arg3[%add3A, %dma_wait3A, %dma_wait3A_24, %dma_wait3A_25] : memref<32x2x80x125xi32, #tpu.memory_space<hbm>> -> memref<1x2x80x125xi32, #tpu.memory_space<hbm>>
      %dma_wait3A_27 = tpu.memref_squeeze %dma_wait3A_26 : memref<1x2x80x125xi32, #tpu.memory_space<hbm>> -> memref<2x80x125xi32, #tpu.memory_space<hbm>>
      %dma_wait3A_28 = arith.constant 0 : i32
      %dma_wait3A_29 = arith.constant 0 : i32
      %dma_wait3A_30 = arith.constant 0 : i32
      %dma_wait3A_31 = tpu.memref_slice %arg3[%add3A, %dma_wait3A_28, %dma_wait3A_29, %dma_wait3A_30] : memref<32x2x80x125xi32, #tpu.memory_space<hbm>> -> memref<1x2x80x125xi32, #tpu.memory_space<hbm>>
      %dma_wait3A_32 = tpu.memref_squeeze %dma_wait3A_31 : memref<1x2x80x125xi32, #tpu.memory_space<hbm>> -> memref<2x80x125xi32, #tpu.memory_space<hbm>>
      tpu.wait_dma2 semaphore(%run_scoped3A : memref<!tpu.dma_semaphore, #tpu.memory_space<semaphore_mem>>) src(%dma_wait3A_32 : memref<2x80x125xi32, #tpu.memory_space<hbm>>) dst(%arg6 : memref<2x80x125xi32, #tpu.memory_space<vmem>>)
      tpu.yield
    }) : () -> ()
    %barrier3A = arith.constant 0 : index
    tpu.barrier barrier_id(%barrier3A)
    %scan3A = arith.constant 0 : i32
    %scan3A_5 = arith.constant 0 : i32
    %scan3A_6 = arith.constant 80 : i32
    %scan3A_7 = arith.addi %scan3A_5, %scan3A_6 : i32
    %scan3A_8 = arith.constant 1 : i32
    scf.for %scan3A_15 = %scan3A_5 to %scan3A_7 step %scan3A_8  : i32 {
      %run_scoped3A = arith.constant 0 : i32
      "tpu.region"() ({
        %run_scoped3A_17 = tpu.sem_alloc : memref<!tpu.dma_semaphore, #tpu.memory_space<semaphore_mem>>
        %dma_start3A = arith.constant 0 : i32
        %dma_start3A_18 = tpu.memref_slice %arg6[%run_scoped3A, %scan3A_15, %dma_start3A] : memref<2x80x125xi32, #tpu.memory_space<vmem>> -> memref<1x1x125xi32, #tpu.memory_space<vmem>>
        %dma_start3A_19 = tpu.memref_squeeze %dma_start3A_18 : memref<1x1x125xi32, #tpu.memory_space<vmem>> -> memref<125xi32, #tpu.memory_space<vmem>>
        %dma_start3A_20 = arith.constant 0 : i32
        %dma_start3A_21 = arith.constant 0 : i32
        %dma_start3A_22 = tpu.memref_slice %arg2[%dma_start3A_20, %dma_start3A_21] : memref<10000x128xf32, #tpu.memory_space<hbm>> -> memref<10000x128xf32, #tpu.memory_space<hbm>>
        tpu.enqueue_indirect_dma source(%dma_start3A_22 : memref<10000x128xf32, #tpu.memory_space<hbm>>) target(%arg7 : memref<125x128xf32, #tpu.memory_space<vmem>>) offsets(%dma_start3A_19 : memref<125xi32, #tpu.memory_space<vmem>>) semaphore(%run_scoped3A_17 : memref<!tpu.dma_semaphore, #tpu.memory_space<semaphore_mem>>)
        %dma_wait3A = arith.constant 0 : i32
        %dma_wait3A_23 = tpu.memref_slice %arg6[%run_scoped3A, %scan3A_15, %dma_wait3A] : memref<2x80x125xi32, #tpu.memory_space<vmem>> -> memref<1x1x125xi32, #tpu.memory_space<vmem>>
        %dma_wait3A_24 = tpu.memref_squeeze %dma_wait3A_23 : memref<1x1x125xi32, #tpu.memory_space<vmem>> -> memref<125xi32, #tpu.memory_space<vmem>>
        %dma_wait3A_25 = arith.constant 0 : i32
        %dma_wait3A_26 = arith.constant 0 : i32
        %dma_wait3A_27 = tpu.memref_slice %arg2[%dma_wait3A_25, %dma_wait3A_26] : memref<10000x128xf32, #tpu.memory_space<hbm>> -> memref<10000x128xf32, #tpu.memory_space<hbm>>
        tpu.wait_indirect_dma semaphore(%run_scoped3A_17 : memref<!tpu.dma_semaphore, #tpu.memory_space<semaphore_mem>>) src(%dma_wait3A_27 : memref<10000x128xf32, #tpu.memory_space<hbm>>) dst(%arg7 : memref<125x128xf32, #tpu.memory_space<vmem>>)
        tpu.yield
      }) : () -> ()
      %run_scoped3A_16 = arith.constant 1 : i32
      "tpu.region"() ({
        %run_scoped3A_17 = tpu.sem_alloc : memref<!tpu.dma_semaphore, #tpu.memory_space<semaphore_mem>>
        %dma_start3A = arith.constant 0 : i32
        %dma_start3A_18 = tpu.memref_slice %arg6[%run_scoped3A_16, %scan3A_15, %dma_start3A] : memref<2x80x125xi32, #tpu.memory_space<vmem>> -> memref<1x1x125xi32, #tpu.memory_space<vmem>>
        %dma_start3A_19 = tpu.memref_squeeze %dma_start3A_18 : memref<1x1x125xi32, #tpu.memory_space<vmem>> -> memref<125xi32, #tpu.memory_space<vmem>>
        %dma_start3A_20 = arith.constant 0 : i32
        %dma_start3A_21 = arith.constant 0 : i32
        %dma_start3A_22 = tpu.memref_slice %arg8[%dma_start3A_20, %dma_start3A_21] : memref<10240x128xf32, #tpu.memory_space<vmem_shared>> -> memref<10240x128xf32, #tpu.memory_space<vmem_shared>>
        tpu.enqueue_indirect_dma source(%arg7 : memref<125x128xf32, #tpu.memory_space<vmem>>) target(%dma_start3A_22 : memref<10240x128xf32, #tpu.memory_space<vmem_shared>>) offsets(%dma_start3A_19 : memref<125xi32, #tpu.memory_space<vmem>>) semaphore(%run_scoped3A_17 : memref<!tpu.dma_semaphore, #tpu.memory_space<semaphore_mem>>) {add = true}
        %dma_wait3A = arith.constant 0 : i32
        %dma_wait3A_23 = tpu.memref_slice %arg6[%run_scoped3A_16, %scan3A_15, %dma_wait3A] : memref<2x80x125xi32, #tpu.memory_space<vmem>> -> memref<1x1x125xi32, #tpu.memory_space<vmem>>
        %dma_wait3A_24 = tpu.memref_squeeze %dma_wait3A_23 : memref<1x1x125xi32, #tpu.memory_space<vmem>> -> memref<125xi32, #tpu.memory_space<vmem>>
        %dma_wait3A_25 = arith.constant 0 : i32
        %dma_wait3A_26 = arith.constant 0 : i32
        %dma_wait3A_27 = tpu.memref_slice %arg8[%dma_wait3A_25, %dma_wait3A_26] : memref<10240x128xf32, #tpu.memory_space<vmem_shared>> -> memref<10240x128xf32, #tpu.memory_space<vmem_shared>>
        tpu.wait_indirect_dma semaphore(%run_scoped3A_17 : memref<!tpu.dma_semaphore, #tpu.memory_space<semaphore_mem>>) src(%arg7 : memref<125x128xf32, #tpu.memory_space<vmem>>) dst(%dma_wait3A_27 : memref<10240x128xf32, #tpu.memory_space<vmem_shared>>)
        tpu.yield
      }) : () -> ()
    }
    %scan3A_9 = arith.constant 80 : i32
    %barrier3A_10 = arith.constant 0 : index
    tpu.barrier barrier_id(%barrier3A_10)
    %mul3A_11 = arith.constant 640 : i32
    %mul3A_12 = arith.muli %arg1, %mul3A_11 : i32
    %mul3A_13 = arith.constant 640 : i32
    %mul3A_14 = arith.muli %arg1, %mul3A_13 : i32
    "tpu.region"() ({
      %run_scoped3A = tpu.sem_alloc : memref<!tpu.dma_semaphore, #tpu.memory_space<semaphore_mem>>
      %dma_start3A = arith.constant 0 : i32
      %dma_start3A_15 = tpu.memref_slice %arg5[%arg0, %mul3A_14, %dma_start3A] : memref<2x10240x128xf32, #tpu.memory_space<hbm>> -> memref<1x640x128xf32, #tpu.memory_space<hbm>>
      %dma_start3A_16 = tpu.memref_squeeze %dma_start3A_15 : memref<1x640x128xf32, #tpu.memory_space<hbm>> -> memref<640x128xf32, #tpu.memory_space<hbm>>
      %dma_start3A_17 = arith.constant 0 : i32
      %dma_start3A_18 = tpu.memref_slice %arg8[%mul3A_12, %dma_start3A_17] : memref<10240x128xf32, #tpu.memory_space<vmem_shared>> -> memref<640x128xf32, #tpu.memory_space<vmem_shared>>
      tpu.enqueue_dma source(%dma_start3A_18 : memref<640x128xf32, #tpu.memory_space<vmem_shared>>) target(%dma_start3A_16 : memref<640x128xf32, #tpu.memory_space<hbm>>) target_semaphore(%run_scoped3A : memref<!tpu.dma_semaphore, #tpu.memory_space<semaphore_mem>>)
      %dma_wait3A = arith.constant 0 : i32
      %dma_wait3A_19 = tpu.memref_slice %arg5[%arg0, %mul3A_14, %dma_wait3A] : memref<2x10240x128xf32, #tpu.memory_space<hbm>> -> memref<1x640x128xf32, #tpu.memory_space<hbm>>
      %dma_wait3A_20 = tpu.memref_squeeze %dma_wait3A_19 : memref<1x640x128xf32, #tpu.memory_space<hbm>> -> memref<640x128xf32, #tpu.memory_space<hbm>>
      %dma_wait3A_21 = arith.constant 0 : i32
      %dma_wait3A_22 = tpu.memref_slice %arg8[%mul3A_12, %dma_wait3A_21] : memref<10240x128xf32, #tpu.memory_space<vmem_shared>> -> memref<640x128xf32, #tpu.memory_space<vmem_shared>>
      tpu.wait_dma2 semaphore(%run_scoped3A : memref<!tpu.dma_semaphore, #tpu.memory_space<semaphore_mem>>) src(%dma_wait3A_22 : memref<640x128xf32, #tpu.memory_space<vmem_shared>>) dst(%dma_wait3A_20 : memref<640x128xf32, #tpu.memory_space<hbm>>)
      tpu.yield
    }) : () -> ()
    return
  }
}

module attributes {stable_mosaic.version = 14 : i64} {
  func.func @_mm_body(%arg0: i32, %arg1: memref<1000x128xf32, #tpu.memory_space<vmem>>, %arg2: memref<128x128xf32, #tpu.memory_space<vmem>>, %arg3: memref<1x128xf32, #tpu.memory_space<vmem>>, %arg4: memref<1000x128xf32, #tpu.memory_space<vmem>>) attributes {dimension_semantics = [#tpu.dimension_semantics<arbitrary>], iteration_bounds = array<i64: 10>, scalar_prefetch = 0 : i64, scratch_operands = 0 : i64, tpu.core_type = #tpu.core_type<tc>, window_params = [{transform_indices = @transform_0, window_bounds = array<i64: 1000, 128>}, {pipeline_mode = #tpu.pipeline_mode<synchronous>, transform_indices = @transform_1, window_bounds = array<i64: 128, 128>}, {pipeline_mode = #tpu.pipeline_mode<synchronous>, transform_indices = @transform_2, window_bounds = array<i64: 1, 128>}, {transform_indices = @transform_3, window_bounds = array<i64: 1000, 128>}]} {
    %get3A = arith.constant 0 : index
    %get3A_0 = arith.constant 0 : index
    %get3A_1 = vector.load %arg1[%get3A, %get3A_0] : memref<1000x128xf32, #tpu.memory_space<vmem>>, vector<1000x128xf32>
    %get3A_2 = arith.constant 0 : index
    %get3A_3 = arith.constant 0 : index
    %get3A_4 = vector.load %arg2[%get3A_2, %get3A_3] : memref<128x128xf32, #tpu.memory_space<vmem>>, vector<128x128xf32>
    %dot_general3A = arith.constant dense<0.000000e+00> : vector<1000x128xf32>
    %dot_general3A_5 = tpu.matmul %get3A_1, %get3A_4, %dot_general3A {dimension_numbers = #tpu.dot_dimension_numbers<[1], [0], [0], [1], [0, 0, 1, 1], [], []>, transpose_lhs_hint = false} : vector<1000x128xf32>, vector<128x128xf32>, vector<1000x128xf32> -> vector<1000x128xf32>
    %get3A_6 = arith.constant 0 : index
    %get3A_7 = arith.constant 0 : index
    %get3A_8 = vector.load %arg3[%get3A_6, %get3A_7] : memref<1x128xf32, #tpu.memory_space<vmem>>, vector<1x128xf32>
    %add3A = vector.broadcast %get3A_8 : vector<1x128xf32> to vector<1000x128xf32>
    %add3A_9 = arith.addf %dot_general3A_5, %add3A : vector<1000x128xf32>
    %swap3A = arith.constant 0 : index
    %swap3A_10 = arith.constant 0 : index
    %swap3A_11 = vector.load %arg4[%swap3A, %swap3A_10] : memref<1000x128xf32, #tpu.memory_space<vmem>>, vector<1000x128xf32>
    tpu.vector_store %arg4[%swap3A, %swap3A_10], %add3A_9 {strides = array<i32>} : memref<1000x128xf32, #tpu.memory_space<vmem>>, vector<1000x128xf32>,
    return
  }
  func.func @transform_0(%arg0: i32) -> (i32, i32) {
    %c0_i32 = arith.constant 0 : i32
    %c0_i32_0 = arith.constant 0 : i32
    return %arg0, %c0_i32 : i32, i32
  }
  func.func @transform_1(%arg0: i32) -> (i32, i32) {
    %c0_i32 = arith.constant 0 : i32
    %c0_i32_0 = arith.constant 0 : i32
    %c0_i32_1 = arith.constant 0 : i32
    return %c0_i32, %c0_i32_0 : i32, i32
  }
  func.func @transform_2(%arg0: i32) -> (i32, i32) {
    %c0_i32 = arith.constant 0 : i32
    %c0_i32_0 = arith.constant 0 : i32
    %c0_i32_1 = arith.constant 0 : i32
    return %c0_i32, %c0_i32_0 : i32, i32
  }
  func.func @transform_3(%arg0: i32) -> (i32, i32) {
    %c0_i32 = arith.constant 0 : i32
    %c0_i32_0 = arith.constant 0 : i32
    return %arg0, %c0_i32 : i32, i32
  }
}

module attributes {stable_mosaic.version = 14 : i64} {
  func.func @_combine_body(%arg0: i32, %arg1: memref<2x1000x128xf32, #tpu.memory_space<vmem>>, %arg2: memref<1000x128xf32, #tpu.memory_space<vmem>>) attributes {dimension_semantics = [#tpu.dimension_semantics<arbitrary>], iteration_bounds = array<i64: 10>, scalar_prefetch = 0 : i64, scratch_operands = 0 : i64, tpu.core_type = #tpu.core_type<tc>, window_params = [{transform_indices = @transform_0, window_bounds = array<i64: 2, 1000, 128>}, {transform_indices = @transform_1, window_bounds = array<i64: 1000, 128>}]} {
    %get3A = arith.constant 0 : index
    %get3A_0 = arith.constant 0 : index
    %get3A_1 = arith.constant 0 : index
    %get3A_2 = vector.load %arg1[%get3A, %get3A_0, %get3A_1] : memref<2x1000x128xf32, #tpu.memory_space<vmem>>, vector<1x1000x128xf32>
    %get3A_3 = vector.shape_cast %get3A_2 : vector<1x1000x128xf32> to vector<1000x128xf32>
    %get3A_4 = arith.constant 1 : index
    %get3A_5 = arith.constant 0 : index
    %get3A_6 = arith.constant 0 : index
    %get3A_7 = vector.load %arg1[%get3A_4, %get3A_5, %get3A_6] : memref<2x1000x128xf32, #tpu.memory_space<vmem>>, vector<1x1000x128xf32>
    %get3A_8 = vector.shape_cast %get3A_7 : vector<1x1000x128xf32> to vector<1000x128xf32>
    %add3A = arith.addf %get3A_3, %get3A_8 : vector<1000x128xf32>
    %swap3A = arith.constant 0 : index
    %swap3A_9 = arith.constant 0 : index
    %swap3A_10 = vector.load %arg2[%swap3A, %swap3A_9] : memref<1000x128xf32, #tpu.memory_space<vmem>>, vector<1000x128xf32>
    tpu.vector_store %arg2[%swap3A, %swap3A_9], %add3A {strides = array<i32>} : memref<1000x128xf32, #tpu.memory_space<vmem>>, vector<1000x128xf32>,
    return
  }
  func.func @transform_0(%arg0: i32) -> (i32, i32, i32) {
    %c0_i32 = arith.constant 0 : i32
    %c0_i32_0 = arith.constant 0 : i32
    %c0_i32_1 = arith.constant 0 : i32
    return %c0_i32, %arg0, %c0_i32_0 : i32, i32, i32
  }
  func.func @transform_1(%arg0: i32) -> (i32, i32) {
    %c0_i32 = arith.constant 0 : i32
    %c0_i32_0 = arith.constant 0 : i32
    return %arg0, %c0_i32 : i32, i32
  }
}

</mosaic_0001>

<sc_bundles>
// kernel: kernel.5.cloned.1.call-start
scs
__scs_entry_jumppad:
0x0: {  	(pc) =	sbr.rel $0x88, $3  }
0x1: {  	(tag) =	ssettag $0x0;
	lr =	simm.s32 $0x1  }
0x2: {  	[smem:$0x3F9D] =	sst lr;
	_ =	strace $0xD0000000  }
0x3: {  	_ = 	snop  }
0x4: {  	_ = 	snop  }
0x5: {  	_ = 	snop  }
0x6: {  	_ = 	snop  }
0x7: {  	_ = 	snop  }
__scs_overlays_trampoline_lowered:
0x8: {  	[smem:$0x3FAC] =	sst s0  }
0x9: {  	[smem:$0x3FAD] =	sst s1  }
0xa: {  	[smem:$0x3FAE] =	sst s2  }
0xb: {  	[smem:$0x3FAF] =	sst s3  }
0xc: {  	[smem:$0x3FB0] =	sst s4  }
0xd: {  	[smem:$0x3FB1] =	sst s5  }
0xe: {  	[smem:$0x3FB2] =	sst s6  }
0xf: {  	[smem:$0x3FB3] =	sst s7  }
0x10: {  	[smem:$0x3FB4] =	sst s8  }
0x11: {  	[smem:$0x3FB5] =	sst s9;
	s0 =	simm.s32 @!p0 $0x0  }
0x12: {  	s1 =	sld [smem:$0x3F9B];
	s0 =	simm.s32 @p0 $0x1  }
0x13: {  	[smem:$0x3FB6] =	sst s0;
	s0 =	simm.s32 @!p1 $0x0  }
0x14: {  	s2 =	sld [smem:$0x3F9A];
	s0 =	simm.s32 @p1 $0x1  }
0x15: {  	[smem:$0x3FB7] =	sst s0;
	s0 =	simm.s32 @!p2 $0x0  }
0x16: {  	s3 =	sld [smem:$0x3FDB];
	s0 =	simm.s32 @p2 $0x1  }
0x17: {  	s4 =	simm.s32 $0x1BF5;
	[smem:$0x3FB9] =	sst s0  }
0x18: {  	s0 =	sld [smem:$0x3F9C];
	_ =	swait.ge [sflag:s4], $0x0  }
0x19: {  	s7 =	sld [smem:$0x3F9D]  }
0x1a: {  	s8 =	sadd.s32 $0xFFFFE003, lr  }
0x1b: {  	s9 =	sadd.s32 $0xFFFFFEF7, lr;
	s5 =	simm.s32 $0xFFFFFFFF;
	p2 =	slt.u32 s8, $0xFFFFF086  }
0x1c: {  	p1 =	slt.u32 s9, $0xF7A;
	s5 =	simm.s32 @!p2 $0x0  }
0x1d: {  	s5 =	simm.s32 @p1 $0x1;
	p0 =	seq.s32 s7, s2  }
0x1e: {  	s7 =	smul.u32 @!p0 $0xF7A, s2;
	p2 =	seq.s32 @!p0 s5, $0x0  }
0x1f: {  	s9 =	smul.u32 $0xF7A, s1;
	s8 =	simm.s32 @!p0 $0x1BF5;
	p2 =	por !p2, p0  }
0x20: {  	[sflag:s8] =	ssyncset.s32 @!p0 $0xFFFFF086;
	s6 =	sadd.s32 @!p0 s3, s7;
	s7 =	simm.s32 @!p0 $0x108  }
0x21: {  	s3 =	sadd.s32 s3, s9;
	s6 =	sadd.s32 @!p0 $0x88, s6;
	s7 =	simm.s32 @p2 $0x1082  }
0x22: {  	[simem:s7], [sflag:s8] =	dma.local @!p0 [hbm:s6], $0xF7A  }
0x23: {  	s9 =	sor.u32 $0xD0000000, s2;
	s6 =	simm.s32 $0x108;
	_ =	swait.ge @!p0 [sflag:s8], $0x0  }
0x24: {  	s3 =	sadd.s32 $0x88, s3;
	s6 =	simm.s32 @!p1 $0x1082;
	[sflag:s4] =	ssyncset.s32 $0xFFFFF086  }
0x25: {  	[simem:s6], [sflag:s4] =	dma.local [hbm:s3], $0xF7A  }
0x26: {  	[smem:$0x3F9D] =	sst s1;
	(tag) =	ssettag s2;
	_ =	strace s9  }
0x27: {  	s1 =	sld [smem:$0x3FAD]  }
0x28: {  	s2 =	sld [smem:$0x3FAE]  }
0x29: {  	s4 =	sld [smem:$0x3FB0]  }
0x2a: {  	p0 =	seq.s32 s5, $0x0;
	s5 =	sld [smem:$0x3FB1]  }
0x2b: {  	s6 =	sld [smem:$0x3FB2]  }
0x2c: {  	s7 =	sld [smem:$0x3FB3]  }
0x2d: {  	s3 =	simm.s32 $0x108;
	s8 =	sld [smem:$0x3FB4]  }
0x2e: {  	s3 =	simm.s32 @!p0 $0x1082;
	s9 =	sld [smem:$0x3FB5]  }
0x2f: {  	lr =	sadd.s32 s0, s3;
	s0 =	sld [smem:$0x3FAC]  }
0x30: {  	s3 =	sld [smem:$0x3FAF]  }
0x31: {  	[smem:$0x3FB8] =	sst s10  }
0x32: {  	s10 =	sld [smem:$0x3FB6];
	_ =	sdelay $0x3  }
0x33: {  	p0 =	seq.s32 s10, $0x1;
	s10 =	sld [smem:$0x3FB8];
	_ =	sdelay $0x3  }
0x34: {  	[smem:$0x3FB8] =	sst s10  }
0x35: {  	s10 =	sld [smem:$0x3FB7];
	_ =	sdelay $0x3  }
0x36: {  	p1 =	seq.s32 s10, $0x1;
	s10 =	sld [smem:$0x3FB8];
	_ =	sdelay $0x3  }
0x37: {  	[smem:$0x3FB8] =	sst s10  }
0x38: {  	s10 =	sld [smem:$0x3FB9]  }
0x39: {  	_ = 	snop;
	(pc) =	sbr.ind lr, $3  }
0x3a: {  	_ = 	snop  }
0x3b: {  	_ = 	snop  }
0x3c: {  	p2 =	seq.s32 s10, $0x1;
	s10 =	sld [smem:$0x3FB8]  }
0x3d: {  	_ =	shalt  }
0x3e: {  	_ =	shalt  }
0x3f: {  	_ =	shalt  }
0x40: {  	_ =	shalt  }
0x41: {  	_ =	shalt  }
0x42: {  	_ =	shalt  }
0x43: {  	_ =	shalt  }
0x44: {  	_ =	shalt  }
0x45: {  	_ =	shalt  }
0x46: {  	_ =	shalt  }
0x47: {  	_ =	shalt  }
0x48: {  	_ =	shalt  }
0x49: {  	_ =	shalt  }
0x4a: {  	_ =	shalt  }
0x4b: {  	_ =	shalt  }
0x4c: {  	_ =	shalt  }
0x4d: {  	_ =	shalt  }
0x4e: {  	_ =	shalt  }
0x4f: {  	_ =	shalt  }
0x50: {  	_ =	shalt  }
0x51: {  	_ =	shalt  }
0x52: {  	_ =	shalt  }
0x53: {  	_ =	shalt  }
0x54: {  	_ =	shalt  }
0x55: {  	_ =	shalt  }
0x56: {  	_ =	shalt  }
0x57: {  	_ =	shalt  }
0x58: {  	_ =	shalt  }
0x59: {  	_ =	shalt  }
0x5a: {  	_ =	shalt  }
0x5b: {  	_ =	shalt  }
0x5c: {  	_ =	shalt  }
0x5d: {  	_ =	shalt  }
0x5e: {  	_ =	shalt  }
0x5f: {  	_ =	shalt  }
0x60: {  	_ =	shalt  }
0x61: {  	_ =	shalt  }
0x62: {  	_ =	shalt  }
0x63: {  	_ =	shalt  }
0x64: {  	_ =	shalt  }
0x65: {  	_ =	shalt  }
0x66: {  	_ =	shalt  }
0x67: {  	_ =	shalt  }
0x68: {  	_ =	shalt  }
0x69: {  	_ =	shalt  }
0x6a: {  	_ =	shalt  }
0x6b: {  	_ =	shalt  }
0x6c: {  	_ =	shalt  }
0x6d: {  	_ =	shalt  }
0x6e: {  	_ =	shalt  }
0x6f: {  	_ =	shalt  }
0x70: {  	_ =	shalt  }
0x71: {  	_ =	shalt  }
0x72: {  	_ =	shalt  }
0x73: {  	_ =	shalt  }
0x74: {  	_ =	shalt  }
0x75: {  	_ =	shalt  }
0x76: {  	_ =	shalt  }
0x77: {  	_ =	shalt  }
0x78: {  	_ =	shalt  }
0x79: {  	_ =	shalt  }
0x7a: {  	_ =	shalt  }
0x7b: {  	_ =	shalt  }
0x7c: {  	_ =	shalt  }
0x7d: {  	_ =	shalt  }
0x7e: {  	_ =	shalt  }
0x7f: {  	_ =	shalt  }
0x80: {  	_ =	shalt  }
0x81: {  	_ =	shalt  }
0x82: {  	_ =	shalt  }
0x83: {  	_ =	shalt  }
0x84: {  	_ =	shalt  }
0x85: {  	_ =	shalt  }
0x86: {  	_ =	shalt  }
0x87: {  	_ =	shalt  }
.Lfunc_end0:
.L_simem_size_0:
called_computation_lowered:
.L_overlay_start_0:
0x88: {  	s2 =	sld [smem:$0x3FD9]  }
0x89: {  	s3 =	sld [smem:$0x3FFE];
	_ =	sdelay $0x1  }
0x8a: {  	s1 =	srdreg.scid  }
0x8b: {  	s0 =	sand.u32 $0x1, s1  }
0x8c: {  	s17 =	sshll.u32 s0, $0xA;
	s2 =	sadd.s32 s3, s2  }
0x8d: {  	s2 =	sadd.s32 s2, s17  }
0x8e: {  	[smem:$0x3FC4] =	sst s2  }
0x8f: {  	_ = 	snop  }
0x90: {  	s2 =	sld [smem:$0x3FD0];
	(tm) =	ssettm $0x1  }
0x91: {  	s18 =	sld [smem:$0x3FFB];
	_ =	sdelay $0x3  }
0x92: {  	_ =	strace s18  }
0x93: {  	s3 =	sld [smem:$0x3FFC];
	_ =	sdelay $0x3  }
0x94: {  	_ =	strace s3  }
0x95: {  	s3 =	sld [smem:$0x3FFD];
	_ =	sdelay $0x3  }
0x96: {  	_ =	strace s3  }
0x97: {  	_ =	strace $0x8FFFFFFF  }
0x98: {  	s19 =	sld [smem:$0x3FDB];
	_ =	sdelay $0x1  }
0x99: {  	s4 =	simm.s32 $_scs_section_size  }
0x9a: {  	s5 =	simm.s32 $_size__tile_overlayer_lowered;
	s6 =	simm.s32 $_tile_overlayer_lowered  }
0x9b: {  	s22 =	simm.s32 $0x1BFF;
	s21 =	sshll.u32 s6, $0x1;
	s3 =	sadd.s32 s4, s19  }
0x9c: {  	s7 =	simm.s32 $0x0;
	s20 =	sshll.u32 s5, $0x1;
	s5 =	sadd.s32 s21, s3  }
0x9d: {  	[timem:s7], [sflag:s22] =	dma.local [hbm:s5], s20  }
0x9e: {  	_ =	swait.ge [sflag:s22], s20  }
0x9f: {  	s4 =	ssub.s32 $0x0, s20;
	[sflag:s22] =	ssyncset.done $0x0  }
0xa0: {  	[sflag:s22] =	ssyncadd.s32 s4;
	_ =	sdelay $0x1  }
0xa1: {  	s23 =	simm.s32 $0x1B8B  }
0xa2: {  	_ =	swait.ge [sflag:s23], $0x1  }
0xa3: {  	[sflag:s23] =	ssyncset.done $0x0  }
0xa4: {  	s25 =	simm.s32 $0x1B8E;
	s24 =	sld [smem:$0x3FFE];
	[sflag:s23] =	ssyncadd.s32 $0xFFFFFFFF  }
0xa5: {  	s26 =	simm.s32 $execute0_lowered;
	[smem:$0x3FD2] =	sst s25  }
0xa6: {  	s5 =	sshll.u32 s26, $0x1;
	_ =	strace $0x80000046;
	[dreg:$0x1] =	wrdreg $0xFFFFFFFF  }
0xa7: {  	s28 =	simm.s32 $_size_execute0_lowered;
	s3 =	sadd.s32 s3, s5;
	[dreg:$0x0] =	wrdreg $0x0  }
0xa8: {  	s5 =	sshll.u32 s28, $0x1;
	[dreg:$0x2] =	wrdreg s3  }
0xa9: {  	[dreg:$0x3] =	wrdreg s5  }
0xaa: {  	[dreg:$0x4] =	wrdreg $0xC0  }
0xab: {  	_ =	task [dreg:s7], $0x5FFFF  }
0xac: {  	[dreg:$0x1] =	wrdreg $0xFFFFFFFF  }
0xad: {  	[dreg:$0x0] =	wrdreg $0x60  }
0xae: {  	[dreg:$0x2] =	wrdreg s2  }
0xaf: {  	[dreg:$0x3] =	wrdreg s24  }
0xb0: {  	[dreg:$0x4] =	wrdreg $0x90000  }
0xb1: {  	[dreg:$0x5] =	wrdreg $0x9  }
0xb2: {  	_ =	task.clear_ibuf [dreg:s7], $0x6FFFF;
	_ =	strace $0x90000046  }
0xb3: {  	s29 =	simm.s32 $0x9;
	_ =	strace $0x80000048  }
0xb4: {  	_ =	swait.ge [sflag:s29], $0x1  }
0xb5: {  	[sflag:s29] =	ssyncadd.s32 $0xFFFFFFFF  }
0xb6: {  	_ =	strace $0x90000048  }
0xb7: {  	_ =	sfence  }
0xb8: {  	s30 =	sld [smem:$0x0];
	_ =	sdelay $0x2  }
0xb9: {  	s31 =	sshll.u32 s1, $0xD;
	s1 =	sshrl.u32 s1, $0x2  }
0xba: {  	s3 =	sand.u32 $0x4000, s31;
	s1 =	sadd.s32 s1, s30  }
0xbb: {  	s0 =	sor.u32 s3, s0;
	s1 =	sshll.u32 s1, $0x11  }
0xbc: {  	s0 =	sor.u32 s1, s0  }
0xbd: {  	s0 =	sadd.s32 $0x8F2B, s0  }
0xbe: {  	[sflag:s0] =	ssyncadd.remote.s32 $0x1  }
0xbf: {  	_ =	sfence.sel $0xFFFF  }
0xc0: {  	[dreg:$0x0] =	wrdreg $0xFFFFFFFF;
	(pc) =	sbr.abs _section_cstart, $3  }
0xc1: {  	[dreg:$0x1] =	wrdreg $0xFFFFFFFF  }
0xc2: {  	_ =	task.clear_ibuf [dreg:s7], $0x2FFFF;
	_ =	strace $0x9FFFFFFF  }
0xc3: {  	(tm) =	ssettm $0x7FFFFFFF  }
tec
execute0_lowered:
.L_overlay_start_1:
0x0: {  	(tag) =	ssettag $0x1  }
0x1: {  	s1 =	rddreg [dreg:$0x0]  }
0x2: {  	s0 =	srdreg.scid;
	s7 =	rddreg [dreg:$0x1]  }
0x3: {  	s3 =	rddreg [dreg:$0x2];
	s4 =	simm.s32 $0x0;
	s6 =	sand.u32 $0x1, s0  }
0x4: {  	s13 =	simm.s32 $0x5000;
	s0 =	stileid.u32;
	s8 =	smul.u32 $0x140000, s6  }
0x5: {  	s14 =	simm.s32 $0x0;
	[smem:$0x7FF] =	sst s4;
	s9 =	smul.u32 $0x14000, s0  }
0x6: {  	s2 =	sshll.u32 s6, $0x4;
	s29 =	smul.u32 $0x50000, s0;
	s6 =	ssub.s32 $0x2, s6  }
0x7: {  	s31 =	sshll.u32 s0, $0x6;
	s2 =	sor.u32 s0, s2;
	s30 =	sshrl.u32 s6, $0x1  }
0x8: {  	s5 =	smul.u32 $0xA00, s2;
	s2 =	rddreg [dreg:$0x3];
	_ =	strace $0x80000047  }
0x9: {  	s8 =	sadd.s32 s9, s8;
	s9 =	sshrl.u32 s29, $0x2;
	s11 =	ssub.s32 s6, s30  }
0xa: {  	s6 =	sor.u32 $0x1C01, s31;
	s8 =	sshrl.u32 s8, $0x3;
	s12 =	sadd.s32 s9, s3  }
0xb: {  	s9 =	smax.u32 s11, $0x1;
	s11 =	simm.s32 $0x1;
	s10 =	sadd.s32 s5, s7  }
0xc: {  	s5 =	sadd.s32 $0x14E00, s7;
	s8 =	sadd.s32 s8, s7;
	s7 =	sadd.s32 $0xE00, s10  }
0xd: {  	s8 =	sadd.s32 $0x17600, s8;
	s10 =	sshrl.u32 s12, $0x3;
	s12 =	simm.s32 $0x7D  }
.LBB2_1:
0xe: {  	[spmem:s10], [sflag:s6] =	dma.local [hbm:s5], $0x2800  }
0xf: {  	_ =	swait.ge [sflag:s11], $0x2800  }
0x10: {  	[sflag:s11] =	ssyncset.done $0x0  }
0x11: {  	[sflag:s11] =	ssyncadd.s32 $0xFFFFD800  }
0x12: {  	[tilespmem:s4], [sflag:$0x1] =	stream.linear.gather [hbm4b:s7+s4], $0x5000, $0x38;
	[tilespmem:$0x1D000] =	vst v63  }
0x13: {  	_ =	swait.ge [sflag:s11], $0x5000  }
0x14: {  	[sflag:s11] =	ssyncset.done $0x0  }
0x15: {  	[sflag:s11] =	ssyncadd.s32 $0xFFFFB000  }
0x16: {  	s15 =	simm.s32 $0x0;
	[bflag:$0x0] =	sbarrier.arrive $0xFFFF  }
0x17: {  	[tilespmem:s13], [sflag:$0x1] =	stream.indirect.gather [hbm4b:s1+s12], $0x80, s15, s12, $0xb8;
	[tilespmem:$0x1D000] =	vst v63  }
0x18: {  	_ =	swait.ge [sflag:s11], $0x3E80  }
0x19: {  	[sflag:s11] =	ssyncset.done $0x0  }
0x1a: {  	s31 =	simm.s32 $0x2800;
	[sflag:s11] =	ssyncadd.s32 $0xFFFFC180  }
0x1b: {  	[spmem:s3] =	stream.indirect.scatter.add.f32 [tilespmem:s13], [sflag:$0x1], $0x80, s31, s12, $0xb8;
	[tilespmem:$0x1D000] =	vst v63  }
0x1c: {  	_ =	swait.ge [sflag:s11], $0x3E80  }
0x1d: {  	s16 =	simm.s32 $0x400;
	s15 =	simm.s32 $0x200;
	[sflag:s11] =	ssyncset.done $0x0  }
.LBB2_2:
0x1e: {  	s17 =	sshra.s32 s15, $0x2  }
0x1f: {  	[sflag:s11] =	ssyncadd.s32 $0xFFFFC180;
	s15 =	smov.u32 s16;
	s18 =	sadd.s32 $0x200, s16  }
0x20: {  	[tilespmem:s13], [sflag:$0x1] =	stream.indirect.gather [hbm4b:s1+s12], $0x80, s17, s12, $0xb8;
	[tilespmem:$0x1D000] =	vst v63  }
0x21: {  	p0 =	sne.s32 s16, $0x9E00;
	_ =	swait.ge [sflag:s11], $0x3E80  }
.Ltmp0:
0x22: {  	[sflag:s11] =	ssyncset.done $0x0;
	(pc) =	sbr.rel @p0 .LBB2_2-.Ltmp0, $4  }
0x23: {  	s16 =	sadd.s32 $0x2800, s17;
	[sflag:s11] =	ssyncadd.s32 $0xFFFFC180  }
0x24: {  	[spmem:s3] =	stream.indirect.scatter.add.f32 [tilespmem:s13], [sflag:$0x1], $0x80, s16, s12, $0xb8;
	[tilespmem:$0x1D000] =	vst v63  }
0x25: {  	_ =	swait.ge [sflag:s11], $0x3E80  }
0x26: {  	s16 =	smov.u32 s18;
	[sflag:s11] =	ssyncset.done $0x0  }
0x27: {  	s15 =	sshra.s32 s15, $0x2;
	[sflag:s11] =	ssyncadd.s32 $0xFFFFC180  }
0x28: {  	[tilespmem:s13], [sflag:$0x1] =	stream.indirect.gather [hbm4b:s1+s12], $0x80, s15, s12, $0xb8;
	[tilespmem:$0x1D000] =	vst v63  }
0x29: {  	_ =	swait.ge [sflag:s11], $0x3E80  }
0x2a: {  	[sflag:s11] =	ssyncset.done $0x0  }
0x2b: {  	s15 =	sadd.s32 $0x2800, s15;
	[sflag:s11] =	ssyncadd.s32 $0xFFFFC180  }
0x2c: {  	[spmem:s3] =	stream.indirect.scatter.add.f32 [tilespmem:s13], [sflag:$0x1], $0x80, s15, s12, $0xb8;
	[tilespmem:$0x1D000] =	vst v63  }
0x2d: {  	_ =	swait.ge [sflag:s11], $0x3E80  }
0x2e: {  	s14 =	sadd.s32 $0x1, s14;
	[sflag:s11] =	ssyncset.done $0x0  }
0x2f: {  	p0 =	sne.s32 s14, s9;
	[sflag:s11] =	ssyncadd.s32 $0xFFFFC180  }
.Ltmp1:
0x30: {  	[bflag:$0x0] =	sbarrier.arrive $0xFFFF;
	(pc) =	sbr.rel @p0 .LBB2_1-.Ltmp1, $4  }
0x31: {  	[hbm:s8], [sflag:s6] =	dma.local [spmem:s10], $0x2800  }
0x32: {  	_ =	swait.ge [sflag:s11], $0x2800  }
0x33: {  	[sflag:s11] =	ssyncset.done $0x0  }
0x34: {  	[sflag:s11] =	ssyncadd.s32 $0xFFFFD800  }
0x35: {  	_ =	sfence.sel $0x180000  }
0x36: {  	[bflag:$0x0] =	sbarrier.arrive $0xFFFF  }
0x37: {  	p0 =	sne.s32 s0, $0x0;
	_ =	strace $0x90000047  }
0x38: {  	s0 =	sadd.s32 @!p0 $0x100000, s2;
	[bflag:$0x2] =	sbarrier.arrive $0xFFFF  }
0x39: {  	[sflag:s0] =	ssyncadd.tile.s32 @!p0 $0x1;
	_ =	shalt  }
.Lfunc_end2:
_tile_overlayer_lowered:
.L_overlay_start_2:
0x3a: {  	(tag) =	ssettag $0x2  }
0x3b: {  	s0 =	rddreg [dreg:$0x0];
	s2 =	stileid.u32  }
0x3c: {  	s1 =	rddreg [dreg:$0x1];
	p0 =	sne.s32 s2, $0x0  }
0x3d: {  	s3 =	rddreg [dreg:$0x2];
	[bflag:$0x3] =	sbarrier.arrive $0xFFFF;
	s2 =	simm.s32 @!p0 $0x1C01  }
0x3e: {  	[timem:s3], [sflag:s2] =	dma.local @!p0 [hbm:s0], s1  }
0x3f: {  	s0 =	simm.s32 @!p0 $0x1  }
0x40: {  	_ =	swait.ge @!p0 [sflag:s0], s1  }
0x41: {  	s1 =	ssub.s32 @!p0 $0x0, s1;
	[sflag:s0] =	ssyncset.done @!p0 $0x0  }
0x42: {  	[sflag:s0] =	ssyncadd.s32 @!p0 s1  }
0x43: {  	[bflag:$0x3] =	sbarrier.arrive $0xFFFF  }
0x44: {  	_ =	shalt  }

</sc_bundles>
